<compile_context>
chip_gen: v7x
topology: tpu7x:2x2x1
jax: 0.10.2.dev20260603
libtpu: 0.0.44.dev20260713+nightly
codegen_flags: <defaults>
</compile_context>

<pallas_src>
import functools

import jax
import jax.numpy as jnp
from jax import lax
from jax.experimental import pallas as pl
from jax.experimental.pallas import tpu as pltpu
from jax.experimental.pallas import tpu_sc as plsc

_B, _H, _W, _C = 8, 224, 224, 384
_NROWS = _B * _H * _W
_ROW = 6 * _W + 6
_COL = 1
_NW = 32
_PERW = _NROWS // _NW
_NBUF = 4
_CH = 64
_G = _PERW // (_NBUF * _CH)
_TCHUNK = _ROW // _CH
_TG, _TSLOT = _TCHUNK // _NBUF, _TCHUNK % _NBUF
_TOFF = _ROW - _TCHUNK * _CH

_mesh = plsc.VectorSubcoreMesh(core_axis_name="c", subcore_axis_name="s")


@functools.partial(
    pl.kernel,
    out_type=jax.ShapeDtypeStruct((_NROWS, _C), jnp.float32),
    mesh=_mesh,
    scratch_types=(
        [pltpu.VMEM((_CH, _C), jnp.float32) for _ in range(_NBUF)]
        + [pltpu.SemaphoreType.DMA for _ in range(2 * _NBUF)]
    ),
)
def _sc_copy(x_hbm, o_hbm, *rest):
    bufs = rest[:_NBUF]
    in_sems = rest[_NBUF:2 * _NBUF]
    out_sems = rest[2 * _NBUF:3 * _NBUF]
    wid = lax.axis_index("s") * 2 + lax.axis_index("c")
    base = wid * _PERW

    def in_copy(rowstart, b):
        return pltpu.make_async_copy(
            x_hbm.at[pl.ds(rowstart, _CH), :], bufs[b], in_sems[b])

    def out_copy(rowstart, b):
        return pltpu.make_async_copy(
            bufs[b], o_hbm.at[pl.ds(rowstart, _CH), :], out_sems[b])

    for b in range(_NBUF):
        in_copy(base + b * _CH, b).start()

    def body(g, _):
        gbase = base + g * (_NBUF * _CH)
        for b in range(_NBUF):
            in_copy(gbase + b * _CH, b).wait()
            if b == _TSLOT:
                @pl.when(jnp.logical_and(wid == 0, g == _TG))
                def _patch():
                    v = bufs[_TSLOT][_TOFF, pl.ds(0, 16)]
                    lane = lax.broadcasted_iota(jnp.int32, (16,), 0)
                    bufs[_TSLOT][_TOFF, pl.ds(0, 16)] = jnp.where(
                        lane == _COL, jnp.float32(1.0), v)
            out_copy(gbase + b * _CH, b).start()
        nbase = gbase + _NBUF * _CH

        @pl.when(g < _G - 1)
        def _refill():
            for b in range(_NBUF):
                out_copy(gbase + b * _CH, b).wait()
                in_copy(nbase + b * _CH, b).start()
        return ()

    lax.fori_loop(0, _G, body, ())
    for b in range(_NBUF):
        out_copy(base + (_G - 1) * _NBUF * _CH + b * _CH, b).wait()


def kernel(x):
    xf = x.reshape(_NROWS, _C)
    out = _sc_copy(xf)
    return out.reshape(_B, _H, _W, _C)

# --- scband reference (transcript-rebuilt; emitter-appended) ---
"""Pipeline reference for scband-custom-layer-14680198218365 (READ-ONLY COPY).

The authoritative reference and input builder live on the scoring server;
editing this copy changes nothing except your own understanding.
"""

import jax, jax.numpy as jnp
import numpy as np


def setup_inputs(seed: int = 0) -> dict:
    key = jax.random.key(seed)
    x = jax.random.normal(key, (8, 224, 224, 384), dtype=jnp.float32)
    return {"x": x}


def reference(x):
    # Faithful translation of out_res / custom_op forward:
    # dyn_assignment: value = add_n([v*T, v*T, v*T]) with T = 1/3, v = x[0,6,6,1]
    # then static_assignment overwrites the same location with 1.0
    row, col, sel_chan = 6, 6, 1
    T = 1.0 / 3.0
    # ith_element -> scalar pulled from the tensor, reshaped to (-1,) in TF; scalar here
    v = x[0, row, col, sel_chan]
    out_val0 = v * T
    out_val1 = v * T
    value_to_assign = out_val0 + out_val1 + out_val1  # tf.math.add_n
    # tensor_scatter_nd_update at index [0, row, col, sel_chan] -> .at[...].set
    z = x.at[0, row, col, sel_chan].set(value_to_assign)
    # static_assignment: overwrite with constant 1.0
    z = z.at[0, row, col, sel_chan].set(jnp.float32(1.0))
    return z

if __name__ == "__main__":
    import jax
    _d = setup_inputs()
    print(jax.jit(kernel)(*tuple(_d.values())))

</pallas_src>

<mosaic_0001>
#map = affine_map<(d0, d1) -> (0, 0)>
module attributes {stable_mosaic.version = 14 : i64} {
  func.func @_sc_copy(%arg0: i32, %arg1: i32, %arg2: memref<401408x384xf32, #tpu.memory_space<hbm>>, %arg3: memref<401408x384xf32, #tpu.memory_space<hbm>>, %arg4: memref<64x384xf32, #tpu.memory_space<vmem>>, %arg5: memref<64x384xf32, #tpu.memory_space<vmem>>, %arg6: memref<64x384xf32, #tpu.memory_space<vmem>>, %arg7: memref<64x384xf32, #tpu.memory_space<vmem>>, %arg8: memref<!tpu.dma_semaphore, #tpu.memory_space<semaphore_mem>>, %arg9: memref<!tpu.dma_semaphore, #tpu.memory_space<semaphore_mem>>, %arg10: memref<!tpu.dma_semaphore, #tpu.memory_space<semaphore_mem>>, %arg11: memref<!tpu.dma_semaphore, #tpu.memory_space<semaphore_mem>>, %arg12: memref<!tpu.dma_semaphore, #tpu.memory_space<semaphore_mem>>, %arg13: memref<!tpu.dma_semaphore, #tpu.memory_space<semaphore_mem>>, %arg14: memref<!tpu.dma_semaphore, #tpu.memory_space<semaphore_mem>>, %arg15: memref<!tpu.dma_semaphore, #tpu.memory_space<semaphore_mem>>) attributes {dimension_semantics = [#tpu.dimension_semantics<core_parallel>, #tpu.dimension_semantics<subcore_parallel>], iteration_bounds = array<i64: 2, 16>, scalar_prefetch = 0 : i64, scratch_operands = 12 : i64, tpu.core_type = #tpu.core_type<sc_vector_subcore>, window_params = [{transform_indices = #map}, {transform_indices = #map}]} {
    %mul3A = arith.constant 2 : i32
    %mul3A_0 = arith.muli %arg1, %mul3A : i32
    %add3A = arith.addi %mul3A_0, %arg0 : i32
    %mul3A_1 = arith.constant 12544 : i32
    %mul3A_2 = arith.muli %add3A, %mul3A_1 : i32
    %add3A_3 = arith.constant 0 : i32
    %add3A_4 = arith.addi %mul3A_2, %add3A_3 : i32
    %dma_start3A = arith.constant 0 : i32
    %dma_start3A_5 = tpu.memref_slice %arg2[%add3A_4, %dma_start3A] : memref<401408x384xf32, #tpu.memory_space<hbm>> -> memref<64x384xf32, #tpu.memory_space<hbm>>
    %dma_start3A_6 = arith.constant 0 : i32
    %dma_start3A_7 = tpu.memref_slice %arg2[%add3A_4, %dma_start3A_6] : memref<401408x384xf32, #tpu.memory_space<hbm>> -> memref<64x384xf32, #tpu.memory_space<hbm>>
    tpu.enqueue_dma source(%dma_start3A_7 : memref<64x384xf32, #tpu.memory_space<hbm>>) target(%arg4 : memref<64x384xf32, #tpu.memory_space<vmem>>) target_semaphore(%arg8 : memref<!tpu.dma_semaphore, #tpu.memory_space<semaphore_mem>>)
    %add3A_8 = arith.constant 64 : i32
    %add3A_9 = arith.addi %mul3A_2, %add3A_8 : i32
    %dma_start3A_10 = arith.constant 0 : i32
    %dma_start3A_11 = tpu.memref_slice %arg2[%add3A_9, %dma_start3A_10] : memref<401408x384xf32, #tpu.memory_space<hbm>> -> memref<64x384xf32, #tpu.memory_space<hbm>>
    %dma_start3A_12 = arith.constant 0 : i32
    %dma_start3A_13 = tpu.memref_slice %arg2[%add3A_9, %dma_start3A_12] : memref<401408x384xf32, #tpu.memory_space<hbm>> -> memref<64x384xf32, #tpu.memory_space<hbm>>
    tpu.enqueue_dma source(%dma_start3A_13 : memref<64x384xf32, #tpu.memory_space<hbm>>) target(%arg5 : memref<64x384xf32, #tpu.memory_space<vmem>>) target_semaphore(%arg9 : memref<!tpu.dma_semaphore, #tpu.memory_space<semaphore_mem>>)
    %add3A_14 = arith.constant 128 : i32
    %add3A_15 = arith.addi %mul3A_2, %add3A_14 : i32
    %dma_start3A_16 = arith.constant 0 : i32
    %dma_start3A_17 = tpu.memref_slice %arg2[%add3A_15, %dma_start3A_16] : memref<401408x384xf32, #tpu.memory_space<hbm>> -> memref<64x384xf32, #tpu.memory_space<hbm>>
    %dma_start3A_18 = arith.constant 0 : i32
    %dma_start3A_19 = tpu.memref_slice %arg2[%add3A_15, %dma_start3A_18] : memref<401408x384xf32, #tpu.memory_space<hbm>> -> memref<64x384xf32, #tpu.memory_space<hbm>>
    tpu.enqueue_dma source(%dma_start3A_19 : memref<64x384xf32, #tpu.memory_space<hbm>>) target(%arg6 : memref<64x384xf32, #tpu.memory_space<vmem>>) target_semaphore(%arg10 : memref<!tpu.dma_semaphore, #tpu.memory_space<semaphore_mem>>)
    %add3A_20 = arith.constant 192 : i32
    %add3A_21 = arith.addi %mul3A_2, %add3A_20 : i32
    %dma_start3A_22 = arith.constant 0 : i32
    %dma_start3A_23 = tpu.memref_slice %arg2[%add3A_21, %dma_start3A_22] : memref<401408x384xf32, #tpu.memory_space<hbm>> -> memref<64x384xf32, #tpu.memory_space<hbm>>
    %dma_start3A_24 = arith.constant 0 : i32
    %dma_start3A_25 = tpu.memref_slice %arg2[%add3A_21, %dma_start3A_24] : memref<401408x384xf32, #tpu.memory_space<hbm>> -> memref<64x384xf32, #tpu.memory_space<hbm>>
    tpu.enqueue_dma source(%dma_start3A_25 : memref<64x384xf32, #tpu.memory_space<hbm>>) target(%arg7 : memref<64x384xf32, #tpu.memory_space<vmem>>) target_semaphore(%arg11 : memref<!tpu.dma_semaphore, #tpu.memory_space<semaphore_mem>>)
    %scan3A = arith.constant 0 : i32
    %scan3A_26 = arith.constant 49 : i32
    %scan3A_27 = arith.addi %scan3A, %scan3A_26 : i32
    %scan3A_28 = arith.constant 1 : i32
    scf.for %scan3A_61 = %scan3A to %scan3A_27 step %scan3A_28  : i32 {
      %mul3A_62 = arith.constant 256 : i32
      %mul3A_63 = arith.muli %scan3A_61, %mul3A_62 : i32
      %add3A_64 = arith.addi %mul3A_2, %mul3A_63 : i32
      %add3A_65 = arith.constant 0 : i32
      %add3A_66 = arith.addi %add3A_64, %add3A_65 : i32
      %dma_wait3A_67 = arith.constant 0 : i32
      %dma_wait3A_68 = tpu.memref_slice %arg2[%add3A_66, %dma_wait3A_67] : memref<401408x384xf32, #tpu.memory_space<hbm>> -> memref<64x384xf32, #tpu.memory_space<hbm>>
      %dma_wait3A_69 = arith.constant 0 : i32
      %dma_wait3A_70 = tpu.memref_slice %arg2[%add3A_66, %dma_wait3A_69] : memref<401408x384xf32, #tpu.memory_space<hbm>> -> memref<64x384xf32, #tpu.memory_space<hbm>>
      tpu.wait_dma2 semaphore(%arg8 : memref<!tpu.dma_semaphore, #tpu.memory_space<semaphore_mem>>) src(%dma_wait3A_70 : memref<64x384xf32, #tpu.memory_space<hbm>>) dst(%arg4 : memref<64x384xf32, #tpu.memory_space<vmem>>)
      %add3A_71 = arith.constant 0 : i32
      %add3A_72 = arith.addi %add3A_64, %add3A_71 : i32
      %dma_start3A_73 = arith.constant 0 : i32
      %dma_start3A_74 = tpu.memref_slice %arg3[%add3A_72, %dma_start3A_73] : memref<401408x384xf32, #tpu.memory_space<hbm>> -> memref<64x384xf32, #tpu.memory_space<hbm>>
      %dma_start3A_75 = arith.constant 0 : i32
      %dma_start3A_76 = tpu.memref_slice %arg3[%add3A_72, %dma_start3A_75] : memref<401408x384xf32, #tpu.memory_space<hbm>> -> memref<64x384xf32, #tpu.memory_space<hbm>>
      tpu.enqueue_dma source(%arg4 : memref<64x384xf32, #tpu.memory_space<vmem>>) target(%dma_start3A_76 : memref<64x384xf32, #tpu.memory_space<hbm>>) target_semaphore(%arg12 : memref<!tpu.dma_semaphore, #tpu.memory_space<semaphore_mem>>)
      %add3A_77 = arith.constant 64 : i32
      %add3A_78 = arith.addi %add3A_64, %add3A_77 : i32
      %dma_wait3A_79 = arith.constant 0 : i32
      %dma_wait3A_80 = tpu.memref_slice %arg2[%add3A_78, %dma_wait3A_79] : memref<401408x384xf32, #tpu.memory_space<hbm>> -> memref<64x384xf32, #tpu.memory_space<hbm>>
      %dma_wait3A_81 = arith.constant 0 : i32
      %dma_wait3A_82 = tpu.memref_slice %arg2[%add3A_78, %dma_wait3A_81] : memref<401408x384xf32, #tpu.memory_space<hbm>> -> memref<64x384xf32, #tpu.memory_space<hbm>>
      tpu.wait_dma2 semaphore(%arg9 : memref<!tpu.dma_semaphore, #tpu.memory_space<semaphore_mem>>) src(%dma_wait3A_82 : memref<64x384xf32, #tpu.memory_space<hbm>>) dst(%arg5 : memref<64x384xf32, #tpu.memory_space<vmem>>)
      %eq3A = arith.constant 0 : i32
      %eq3A_83 = arith.cmpi eq, %add3A, %eq3A : i32
      %eq3A_84 = arith.constant 5 : i32
      %eq3A_85 = arith.cmpi eq, %scan3A_61, %eq3A_84 : i32
      %and3A = arith.andi %eq3A_83, %eq3A_85 : i1
      %convert_element_type3A = arith.extui %and3A : i1 to i32
      %cond3A = arith.constant 0 : i32
      %cond3A_86 = arith.cmpi ne, %convert_element_type3A, %cond3A : i32
      scf.if %cond3A_86 {
        %get3A = arith.constant 6 : i32
        %get3A_123 = arith.index_cast %get3A : i32 to index
        %get3A_124 = arith.constant 0 : index
        %get3A_125 = tpu.vector_load %arg5[%get3A_123, %get3A_124] {strides = array<i32>} : memref<64x384xf32, #tpu.memory_space<vmem>>, vector<1x16xf32>,
        %get3A_126 = vector.shape_cast %get3A_125 : vector<1x16xf32> to vector<16xf32>
        %iota3A = tpu.iota {dimensions = array<i32: 0>} : vector<16xi32>
        %eq3A_127 = arith.constant 1 : i32
        %eq3A_128 = vector.broadcast %eq3A_127 : i32 to vector<16xi32>
        %eq3A_129 = arith.cmpi eq, %iota3A, %eq3A_128 : vector<16xi32>
        %jit3A = arith.constant 1.000000e+00 : f32
        %broadcast_in_dim3A = vector.broadcast %jit3A : f32 to vector<16xf32>
        %select_n3A = arith.select %eq3A_129, %broadcast_in_dim3A, %get3A_126 : vector<16xi1>, vector<16xf32>
        %swap3A = arith.constant 6 : i32
        %swap3A_130 = arith.index_cast %swap3A : i32 to index
        %swap3A_131 = arith.constant 0 : index
        %swap3A_132 = tpu.vector_load %arg5[%swap3A_130, %swap3A_131] {strides = array<i32>} : memref<64x384xf32, #tpu.memory_space<vmem>>, vector<1x16xf32>,
        %swap3A_133 = vector.shape_cast %swap3A_132 : vector<1x16xf32> to vector<16xf32>
        %swap3A_134 = vector.shape_cast %select_n3A : vector<16xf32> to vector<1x16xf32>
        tpu.vector_store %arg5[%swap3A_130, %swap3A_131], %swap3A_134 {strides = array<i32>} : memref<64x384xf32, #tpu.memory_space<vmem>>, vector<1x16xf32>,
      } else {
      }
      %add3A_87 = arith.constant 64 : i32
      %add3A_88 = arith.addi %add3A_64, %add3A_87 : i32
      %dma_start3A_89 = arith.constant 0 : i32
      %dma_start3A_90 = tpu.memref_slice %arg3[%add3A_88, %dma_start3A_89] : memref<401408x384xf32, #tpu.memory_space<hbm>> -> memref<64x384xf32, #tpu.memory_space<hbm>>
      %dma_start3A_91 = arith.constant 0 : i32
      %dma_start3A_92 = tpu.memref_slice %arg3[%add3A_88, %dma_start3A_91] : memref<401408x384xf32, #tpu.memory_space<hbm>> -> memref<64x384xf32, #tpu.memory_space<hbm>>
      tpu.enqueue_dma source(%arg5 : memref<64x384xf32, #tpu.memory_space<vmem>>) target(%dma_start3A_92 : memref<64x384xf32, #tpu.memory_space<hbm>>) target_semaphore(%arg13 : memref<!tpu.dma_semaphore, #tpu.memory_space<semaphore_mem>>)
      %add3A_93 = arith.constant 128 : i32
      %add3A_94 = arith.addi %add3A_64, %add3A_93 : i32
      %dma_wait3A_95 = arith.constant 0 : i32
      %dma_wait3A_96 = tpu.memref_slice %arg2[%add3A_94, %dma_wait3A_95] : memref<401408x384xf32, #tpu.memory_space<hbm>> -> memref<64x384xf32, #tpu.memory_space<hbm>>
      %dma_wait3A_97 = arith.constant 0 : i32
      %dma_wait3A_98 = tpu.memref_slice %arg2[%add3A_94, %dma_wait3A_97] : memref<401408x384xf32, #tpu.memory_space<hbm>> -> memref<64x384xf32, #tpu.memory_space<hbm>>
      tpu.wait_dma2 semaphore(%arg10 : memref<!tpu.dma_semaphore, #tpu.memory_space<semaphore_mem>>) src(%dma_wait3A_98 : memref<64x384xf32, #tpu.memory_space<hbm>>) dst(%arg6 : memref<64x384xf32, #tpu.memory_space<vmem>>)
      %add3A_99 = arith.constant 128 : i32
      %add3A_100 = arith.addi %add3A_64, %add3A_99 : i32
      %dma_start3A_101 = arith.constant 0 : i32
      %dma_start3A_102 = tpu.memref_slice %arg3[%add3A_100, %dma_start3A_101] : memref<401408x384xf32, #tpu.memory_space<hbm>> -> memref<64x384xf32, #tpu.memory_space<hbm>>
      %dma_start3A_103 = arith.constant 0 : i32
      %dma_start3A_104 = tpu.memref_slice %arg3[%add3A_100, %dma_start3A_103] : memref<401408x384xf32, #tpu.memory_space<hbm>> -> memref<64x384xf32, #tpu.memory_space<hbm>>
      tpu.enqueue_dma source(%arg6 : memref<64x384xf32, #tpu.memory_space<vmem>>) target(%dma_start3A_104 : memref<64x384xf32, #tpu.memory_space<hbm>>) target_semaphore(%arg14 : memref<!tpu.dma_semaphore, #tpu.memory_space<semaphore_mem>>)
      %add3A_105 = arith.constant 192 : i32
      %add3A_106 = arith.addi %add3A_64, %add3A_105 : i32
      %dma_wait3A_107 = arith.constant 0 : i32
      %dma_wait3A_108 = tpu.memref_slice %arg2[%add3A_106, %dma_wait3A_107] : memref<401408x384xf32, #tpu.memory_space<hbm>> -> memref<64x384xf32, #tpu.memory_space<hbm>>
      %dma_wait3A_109 = arith.constant 0 : i32
      %dma_wait3A_110 = tpu.memref_slice %arg2[%add3A_106, %dma_wait3A_109] : memref<401408x384xf32, #tpu.memory_space<hbm>> -> memref<64x384xf32, #tpu.memory_space<hbm>>
      tpu.wait_dma2 semaphore(%arg11 : memref<!tpu.dma_semaphore, #tpu.memory_space<semaphore_mem>>) src(%dma_wait3A_110 : memref<64x384xf32, #tpu.memory_space<hbm>>) dst(%arg7 : memref<64x384xf32, #tpu.memory_space<vmem>>)
      %add3A_111 = arith.constant 192 : i32
      %add3A_112 = arith.addi %add3A_64, %add3A_111 : i32
      %dma_start3A_113 = arith.constant 0 : i32
      %dma_start3A_114 = tpu.memref_slice %arg3[%add3A_112, %dma_start3A_113] : memref<401408x384xf32, #tpu.memory_space<hbm>> -> memref<64x384xf32, #tpu.memory_space<hbm>>
      %dma_start3A_115 = arith.constant 0 : i32
      %dma_start3A_116 = tpu.memref_slice %arg3[%add3A_112, %dma_start3A_115] : memref<401408x384xf32, #tpu.memory_space<hbm>> -> memref<64x384xf32, #tpu.memory_space<hbm>>
      tpu.enqueue_dma source(%arg7 : memref<64x384xf32, #tpu.memory_space<vmem>>) target(%dma_start3A_116 : memref<64x384xf32, #tpu.memory_space<hbm>>) target_semaphore(%arg15 : memref<!tpu.dma_semaphore, #tpu.memory_space<semaphore_mem>>)
      %add3A_117 = arith.constant 256 : i32
      %add3A_118 = arith.addi %add3A_64, %add3A_117 : i32
      %lt3A = arith.constant 48 : i32
      %lt3A_119 = arith.cmpi slt, %scan3A_61, %lt3A : i32
      %convert_element_type3A_120 = arith.extui %lt3A_119 : i1 to i32
      %cond3A_121 = arith.constant 0 : i32
      %cond3A_122 = arith.cmpi ne, %convert_element_type3A_120, %cond3A_121 : i32
      scf.if %cond3A_122 {
        %add3A_123 = arith.constant 0 : i32
        %add3A_124 = arith.addi %add3A_64, %add3A_123 : i32
        %dma_wait3A_125 = arith.constant 0 : i32
        %dma_wait3A_126 = tpu.memref_slice %arg3[%add3A_124, %dma_wait3A_125] : memref<401408x384xf32, #tpu.memory_space<hbm>> -> memref<64x384xf32, #tpu.memory_space<hbm>>
        %dma_wait3A_127 = arith.constant 0 : i32
        %dma_wait3A_128 = tpu.memref_slice %arg3[%add3A_124, %dma_wait3A_127] : memref<401408x384xf32, #tpu.memory_space<hbm>> -> memref<64x384xf32, #tpu.memory_space<hbm>>
        tpu.wait_dma2 semaphore(%arg12 : memref<!tpu.dma_semaphore, #tpu.memory_space<semaphore_mem>>) src(%arg4 : memref<64x384xf32, #tpu.memory_space<vmem>>) dst(%dma_wait3A_128 : memref<64x384xf32, #tpu.memory_space<hbm>>)
        %add3A_129 = arith.constant 0 : i32
        %add3A_130 = arith.addi %add3A_118, %add3A_129 : i32
        %dma_start3A_131 = arith.constant 0 : i32
        %dma_start3A_132 = tpu.memref_slice %arg2[%add3A_130, %dma_start3A_131] : memref<401408x384xf32, #tpu.memory_space<hbm>> -> memref<64x384xf32, #tpu.memory_space<hbm>>
        %dma_start3A_133 = arith.constant 0 : i32
        %dma_start3A_134 = tpu.memref_slice %arg2[%add3A_130, %dma_start3A_133] : memref<401408x384xf32, #tpu.memory_space<hbm>> -> memref<64x384xf32, #tpu.memory_space<hbm>>
        tpu.enqueue_dma source(%dma_start3A_134 : memref<64x384xf32, #tpu.memory_space<hbm>>) target(%arg4 : memref<64x384xf32, #tpu.memory_space<vmem>>) target_semaphore(%arg8 : memref<!tpu.dma_semaphore, #tpu.memory_space<semaphore_mem>>)
        %add3A_135 = arith.constant 64 : i32
        %add3A_136 = arith.addi %add3A_64, %add3A_135 : i32
        %dma_wait3A_137 = arith.constant 0 : i32
        %dma_wait3A_138 = tpu.memref_slice %arg3[%add3A_136, %dma_wait3A_137] : memref<401408x384xf32, #tpu.memory_space<hbm>> -> memref<64x384xf32, #tpu.memory_space<hbm>>
        %dma_wait3A_139 = arith.constant 0 : i32
        %dma_wait3A_140 = tpu.memref_slice %arg3[%add3A_136, %dma_wait3A_139] : memref<401408x384xf32, #tpu.memory_space<hbm>> -> memref<64x384xf32, #tpu.memory_space<hbm>>
        tpu.wait_dma2 semaphore(%arg13 : memref<!tpu.dma_semaphore, #tpu.memory_space<semaphore_mem>>) src(%arg5 : memref<64x384xf32, #tpu.memory_space<vmem>>) dst(%dma_wait3A_140 : memref<64x384xf32, #tpu.memory_space<hbm>>)
        %add3A_141 = arith.constant 64 : i32
        %add3A_142 = arith.addi %add3A_118, %add3A_141 : i32
        %dma_start3A_143 = arith.constant 0 : i32
        %dma_start3A_144 = tpu.memref_slice %arg2[%add3A_142, %dma_start3A_143] : memref<401408x384xf32, #tpu.memory_space<hbm>> -> memref<64x384xf32, #tpu.memory_space<hbm>>
        %dma_start3A_145 = arith.constant 0 : i32
        %dma_start3A_146 = tpu.memref_slice %arg2[%add3A_142, %dma_start3A_145] : memref<401408x384xf32, #tpu.memory_space<hbm>> -> memref<64x384xf32, #tpu.memory_space<hbm>>
        tpu.enqueue_dma source(%dma_start3A_146 : memref<64x384xf32, #tpu.memory_space<hbm>>) target(%arg5 : memref<64x384xf32, #tpu.memory_space<vmem>>) target_semaphore(%arg9 : memref<!tpu.dma_semaphore, #tpu.memory_space<semaphore_mem>>)
        %add3A_147 = arith.constant 128 : i32
        %add3A_148 = arith.addi %add3A_64, %add3A_147 : i32
        %dma_wait3A_149 = arith.constant 0 : i32
        %dma_wait3A_150 = tpu.memref_slice %arg3[%add3A_148, %dma_wait3A_149] : memref<401408x384xf32, #tpu.memory_space<hbm>> -> memref<64x384xf32, #tpu.memory_space<hbm>>
        %dma_wait3A_151 = arith.constant 0 : i32
        %dma_wait3A_152 = tpu.memref_slice %arg3[%add3A_148, %dma_wait3A_151] : memref<401408x384xf32, #tpu.memory_space<hbm>> -> memref<64x384xf32, #tpu.memory_space<hbm>>
        tpu.wait_dma2 semaphore(%arg14 : memref<!tpu.dma_semaphore, #tpu.memory_space<semaphore_mem>>) src(%arg6 : memref<64x384xf32, #tpu.memory_space<vmem>>) dst(%dma_wait3A_152 : memref<64x384xf32, #tpu.memory_space<hbm>>)
        %add3A_153 = arith.constant 128 : i32
        %add3A_154 = arith.addi %add3A_118, %add3A_153 : i32
        %dma_start3A_155 = arith.constant 0 : i32
        %dma_start3A_156 = tpu.memref_slice %arg2[%add3A_154, %dma_start3A_155] : memref<401408x384xf32, #tpu.memory_space<hbm>> -> memref<64x384xf32, #tpu.memory_space<hbm>>
        %dma_start3A_157 = arith.constant 0 : i32
        %dma_start3A_158 = tpu.memref_slice %arg2[%add3A_154, %dma_start3A_157] : memref<401408x384xf32, #tpu.memory_space<hbm>> -> memref<64x384xf32, #tpu.memory_space<hbm>>
        tpu.enqueue_dma source(%dma_start3A_158 : memref<64x384xf32, #tpu.memory_space<hbm>>) target(%arg6 : memref<64x384xf32, #tpu.memory_space<vmem>>) target_semaphore(%arg10 : memref<!tpu.dma_semaphore, #tpu.memory_space<semaphore_mem>>)
        %add3A_159 = arith.constant 192 : i32
        %add3A_160 = arith.addi %add3A_64, %add3A_159 : i32
        %dma_wait3A_161 = arith.constant 0 : i32
        %dma_wait3A_162 = tpu.memref_slice %arg3[%add3A_160, %dma_wait3A_161] : memref<401408x384xf32, #tpu.memory_space<hbm>> -> memref<64x384xf32, #tpu.memory_space<hbm>>
        %dma_wait3A_163 = arith.constant 0 : i32
        %dma_wait3A_164 = tpu.memref_slice %arg3[%add3A_160, %dma_wait3A_163] : memref<401408x384xf32, #tpu.memory_space<hbm>> -> memref<64x384xf32, #tpu.memory_space<hbm>>
        tpu.wait_dma2 semaphore(%arg15 : memref<!tpu.dma_semaphore, #tpu.memory_space<semaphore_mem>>) src(%arg7 : memref<64x384xf32, #tpu.memory_space<vmem>>) dst(%dma_wait3A_164 : memref<64x384xf32, #tpu.memory_space<hbm>>)
        %add3A_165 = arith.constant 192 : i32
        %add3A_166 = arith.addi %add3A_118, %add3A_165 : i32
        %dma_start3A_167 = arith.constant 0 : i32
        %dma_start3A_168 = tpu.memref_slice %arg2[%add3A_166, %dma_start3A_167] : memref<401408x384xf32, #tpu.memory_space<hbm>> -> memref<64x384xf32, #tpu.memory_space<hbm>>
        %dma_start3A_169 = arith.constant 0 : i32
        %dma_start3A_170 = tpu.memref_slice %arg2[%add3A_166, %dma_start3A_169] : memref<401408x384xf32, #tpu.memory_space<hbm>> -> memref<64x384xf32, #tpu.memory_space<hbm>>
        tpu.enqueue_dma source(%dma_start3A_170 : memref<64x384xf32, #tpu.memory_space<hbm>>) target(%arg7 : memref<64x384xf32, #tpu.memory_space<vmem>>) target_semaphore(%arg11 : memref<!tpu.dma_semaphore, #tpu.memory_space<semaphore_mem>>)
      } else {
      }
    }
    %scan3A_29 = arith.constant 49 : i32
    %add3A_30 = arith.constant 12288 : i32
    %add3A_31 = arith.addi %mul3A_2, %add3A_30 : i32
    %add3A_32 = arith.constant 0 : i32
    %add3A_33 = arith.addi %add3A_31, %add3A_32 : i32
    %dma_wait3A = arith.constant 0 : i32
    %dma_wait3A_34 = tpu.memref_slice %arg3[%add3A_33, %dma_wait3A] : memref<401408x384xf32, #tpu.memory_space<hbm>> -> memref<64x384xf32, #tpu.memory_space<hbm>>
    %dma_wait3A_35 = arith.constant 0 : i32
    %dma_wait3A_36 = tpu.memref_slice %arg3[%add3A_33, %dma_wait3A_35] : memref<401408x384xf32, #tpu.memory_space<hbm>> -> memref<64x384xf32, #tpu.memory_space<hbm>>
    tpu.wait_dma2 semaphore(%arg12 : memref<!tpu.dma_semaphore, #tpu.memory_space<semaphore_mem>>) src(%arg4 : memref<64x384xf32, #tpu.memory_space<vmem>>) dst(%dma_wait3A_36 : memref<64x384xf32, #tpu.memory_space<hbm>>)
    %add3A_37 = arith.constant 12288 : i32
    %add3A_38 = arith.addi %mul3A_2, %add3A_37 : i32
    %add3A_39 = arith.constant 64 : i32
    %add3A_40 = arith.addi %add3A_38, %add3A_39 : i32
    %dma_wait3A_41 = arith.constant 0 : i32
    %dma_wait3A_42 = tpu.memref_slice %arg3[%add3A_40, %dma_wait3A_41] : memref<401408x384xf32, #tpu.memory_space<hbm>> -> memref<64x384xf32, #tpu.memory_space<hbm>>
    %dma_wait3A_43 = arith.constant 0 : i32
    %dma_wait3A_44 = tpu.memref_slice %arg3[%add3A_40, %dma_wait3A_43] : memref<401408x384xf32, #tpu.memory_space<hbm>> -> memref<64x384xf32, #tpu.memory_space<hbm>>
    tpu.wait_dma2 semaphore(%arg13 : memref<!tpu.dma_semaphore, #tpu.memory_space<semaphore_mem>>) src(%arg5 : memref<64x384xf32, #tpu.memory_space<vmem>>) dst(%dma_wait3A_44 : memref<64x384xf32, #tpu.memory_space<hbm>>)
    %add3A_45 = arith.constant 12288 : i32
    %add3A_46 = arith.addi %mul3A_2, %add3A_45 : i32
    %add3A_47 = arith.constant 128 : i32
    %add3A_48 = arith.addi %add3A_46, %add3A_47 : i32
    %dma_wait3A_49 = arith.constant 0 : i32
    %dma_wait3A_50 = tpu.memref_slice %arg3[%add3A_48, %dma_wait3A_49] : memref<401408x384xf32, #tpu.memory_space<hbm>> -> memref<64x384xf32, #tpu.memory_space<hbm>>
    %dma_wait3A_51 = arith.constant 0 : i32
    %dma_wait3A_52 = tpu.memref_slice %arg3[%add3A_48, %dma_wait3A_51] : memref<401408x384xf32, #tpu.memory_space<hbm>> -> memref<64x384xf32, #tpu.memory_space<hbm>>
    tpu.wait_dma2 semaphore(%arg14 : memref<!tpu.dma_semaphore, #tpu.memory_space<semaphore_mem>>) src(%arg6 : memref<64x384xf32, #tpu.memory_space<vmem>>) dst(%dma_wait3A_52 : memref<64x384xf32, #tpu.memory_space<hbm>>)
    %add3A_53 = arith.constant 12288 : i32
    %add3A_54 = arith.addi %mul3A_2, %add3A_53 : i32
    %add3A_55 = arith.constant 192 : i32
    %add3A_56 = arith.addi %add3A_54, %add3A_55 : i32
    %dma_wait3A_57 = arith.constant 0 : i32
    %dma_wait3A_58 = tpu.memref_slice %arg3[%add3A_56, %dma_wait3A_57] : memref<401408x384xf32, #tpu.memory_space<hbm>> -> memref<64x384xf32, #tpu.memory_space<hbm>>
    %dma_wait3A_59 = arith.constant 0 : i32
    %dma_wait3A_60 = tpu.memref_slice %arg3[%add3A_56, %dma_wait3A_59] : memref<401408x384xf32, #tpu.memory_space<hbm>> -> memref<64x384xf32, #tpu.memory_space<hbm>>
    tpu.wait_dma2 semaphore(%arg15 : memref<!tpu.dma_semaphore, #tpu.memory_space<semaphore_mem>>) src(%arg7 : memref<64x384xf32, #tpu.memory_space<vmem>>) dst(%dma_wait3A_60 : memref<64x384xf32, #tpu.memory_space<hbm>>)
    return
  }
}

</mosaic_0001>

<sc_bundles>
// kernel: kernel.3.cloned.1.call-start
scs
__scs_entry_jumppad:
0x0: {  	(pc) =	sbr.rel $0x88, $3  }
0x1: {  	(tag) =	ssettag $0x0;
	lr =	simm.s32 $0x1  }
0x2: {  	[smem:$0x3FA0] =	sst lr;
	_ =	strace $0xD0000000  }
0x3: {  	_ = 	snop  }
0x4: {  	_ = 	snop  }
0x5: {  	_ = 	snop  }
0x6: {  	_ = 	snop  }
0x7: {  	_ = 	snop  }
__scs_overlays_trampoline_lowered:
0x8: {  	[smem:$0x3FAF] =	sst s0  }
0x9: {  	[smem:$0x3FB0] =	sst s1  }
0xa: {  	[smem:$0x3FB1] =	sst s2  }
0xb: {  	[smem:$0x3FB2] =	sst s3  }
0xc: {  	[smem:$0x3FB3] =	sst s4  }
0xd: {  	[smem:$0x3FB4] =	sst s5  }
0xe: {  	[smem:$0x3FB5] =	sst s6  }
0xf: {  	[smem:$0x3FB6] =	sst s7  }
0x10: {  	[smem:$0x3FB7] =	sst s8  }
0x11: {  	[smem:$0x3FB8] =	sst s9;
	s0 =	simm.s32 @!p0 $0x0  }
0x12: {  	s1 =	sld [smem:$0x3F9E];
	s0 =	simm.s32 @p0 $0x1  }
0x13: {  	[smem:$0x3FB9] =	sst s0;
	s0 =	simm.s32 @!p1 $0x0  }
0x14: {  	s2 =	sld [smem:$0x3F9D];
	s0 =	simm.s32 @p1 $0x1  }
0x15: {  	[smem:$0x3FBA] =	sst s0;
	s0 =	simm.s32 @!p2 $0x0  }
0x16: {  	s3 =	sld [smem:$0x3FDB];
	s0 =	simm.s32 @p2 $0x1  }
0x17: {  	s4 =	simm.s32 $0x1BF5;
	[smem:$0x3FBC] =	sst s0  }
0x18: {  	s0 =	sld [smem:$0x3F9F];
	_ =	swait.ge [sflag:s4], $0x0  }
0x19: {  	s7 =	sld [smem:$0x3FA0]  }
0x1a: {  	s8 =	sadd.s32 $0xFFFFE003, lr  }
0x1b: {  	s9 =	sadd.s32 $0xFFFFFEF7, lr;
	s5 =	simm.s32 $0xFFFFFFFF;
	p2 =	slt.u32 s8, $0xFFFFF086  }
0x1c: {  	p1 =	slt.u32 s9, $0xF7A;
	s5 =	simm.s32 @!p2 $0x0  }
0x1d: {  	s5 =	simm.s32 @p1 $0x1;
	p0 =	seq.s32 s7, s2  }
0x1e: {  	s7 =	smul.u32 @!p0 $0xF7A, s2;
	p2 =	seq.s32 @!p0 s5, $0x0  }
0x1f: {  	s9 =	smul.u32 $0xF7A, s1;
	s8 =	simm.s32 @!p0 $0x1BF5;
	p2 =	por !p2, p0  }
0x20: {  	[sflag:s8] =	ssyncset.s32 @!p0 $0xFFFFF086;
	s6 =	sadd.s32 @!p0 s3, s7;
	s7 =	simm.s32 @!p0 $0x108  }
0x21: {  	s3 =	sadd.s32 s3, s9;
	s6 =	sadd.s32 @!p0 $0x88, s6;
	s7 =	simm.s32 @p2 $0x1082  }
0x22: {  	[simem:s7], [sflag:s8] =	dma.local @!p0 [hbm:s6], $0xF7A  }
0x23: {  	s9 =	sor.u32 $0xD0000000, s2;
	s6 =	simm.s32 $0x108;
	_ =	swait.ge @!p0 [sflag:s8], $0x0  }
0x24: {  	s3 =	sadd.s32 $0x88, s3;
	s6 =	simm.s32 @!p1 $0x1082;
	[sflag:s4] =	ssyncset.s32 $0xFFFFF086  }
0x25: {  	[simem:s6], [sflag:s4] =	dma.local [hbm:s3], $0xF7A  }
0x26: {  	[smem:$0x3FA0] =	sst s1;
	(tag) =	ssettag s2;
	_ =	strace s9  }
0x27: {  	s1 =	sld [smem:$0x3FB0]  }
0x28: {  	s2 =	sld [smem:$0x3FB1]  }
0x29: {  	s4 =	sld [smem:$0x3FB3]  }
0x2a: {  	p0 =	seq.s32 s5, $0x0;
	s5 =	sld [smem:$0x3FB4]  }
0x2b: {  	s6 =	sld [smem:$0x3FB5]  }
0x2c: {  	s7 =	sld [smem:$0x3FB6]  }
0x2d: {  	s3 =	simm.s32 $0x108;
	s8 =	sld [smem:$0x3FB7]  }
0x2e: {  	s3 =	simm.s32 @!p0 $0x1082;
	s9 =	sld [smem:$0x3FB8]  }
0x2f: {  	lr =	sadd.s32 s0, s3;
	s0 =	sld [smem:$0x3FAF]  }
0x30: {  	s3 =	sld [smem:$0x3FB2]  }
0x31: {  	[smem:$0x3FBB] =	sst s10  }
0x32: {  	s10 =	sld [smem:$0x3FB9];
	_ =	sdelay $0x3  }
0x33: {  	p0 =	seq.s32 s10, $0x1;
	s10 =	sld [smem:$0x3FBB];
	_ =	sdelay $0x3  }
0x34: {  	[smem:$0x3FBB] =	sst s10  }
0x35: {  	s10 =	sld [smem:$0x3FBA];
	_ =	sdelay $0x3  }
0x36: {  	p1 =	seq.s32 s10, $0x1;
	s10 =	sld [smem:$0x3FBB];
	_ =	sdelay $0x3  }
0x37: {  	[smem:$0x3FBB] =	sst s10  }
0x38: {  	s10 =	sld [smem:$0x3FBC]  }
0x39: {  	_ = 	snop;
	(pc) =	sbr.ind lr, $3  }
0x3a: {  	_ = 	snop  }
0x3b: {  	_ = 	snop  }
0x3c: {  	p2 =	seq.s32 s10, $0x1;
	s10 =	sld [smem:$0x3FBB]  }
0x3d: {  	_ =	shalt  }
0x3e: {  	_ =	shalt  }
0x3f: {  	_ =	shalt  }
0x40: {  	_ =	shalt  }
0x41: {  	_ =	shalt  }
0x42: {  	_ =	shalt  }
0x43: {  	_ =	shalt  }
0x44: {  	_ =	shalt  }
0x45: {  	_ =	shalt  }
0x46: {  	_ =	shalt  }
0x47: {  	_ =	shalt  }
0x48: {  	_ =	shalt  }
0x49: {  	_ =	shalt  }
0x4a: {  	_ =	shalt  }
0x4b: {  	_ =	shalt  }
0x4c: {  	_ =	shalt  }
0x4d: {  	_ =	shalt  }
0x4e: {  	_ =	shalt  }
0x4f: {  	_ =	shalt  }
0x50: {  	_ =	shalt  }
0x51: {  	_ =	shalt  }
0x52: {  	_ =	shalt  }
0x53: {  	_ =	shalt  }
0x54: {  	_ =	shalt  }
0x55: {  	_ =	shalt  }
0x56: {  	_ =	shalt  }
0x57: {  	_ =	shalt  }
0x58: {  	_ =	shalt  }
0x59: {  	_ =	shalt  }
0x5a: {  	_ =	shalt  }
0x5b: {  	_ =	shalt  }
0x5c: {  	_ =	shalt  }
0x5d: {  	_ =	shalt  }
0x5e: {  	_ =	shalt  }
0x5f: {  	_ =	shalt  }
0x60: {  	_ =	shalt  }
0x61: {  	_ =	shalt  }
0x62: {  	_ =	shalt  }
0x63: {  	_ =	shalt  }
0x64: {  	_ =	shalt  }
0x65: {  	_ =	shalt  }
0x66: {  	_ =	shalt  }
0x67: {  	_ =	shalt  }
0x68: {  	_ =	shalt  }
0x69: {  	_ =	shalt  }
0x6a: {  	_ =	shalt  }
0x6b: {  	_ =	shalt  }
0x6c: {  	_ =	shalt  }
0x6d: {  	_ =	shalt  }
0x6e: {  	_ =	shalt  }
0x6f: {  	_ =	shalt  }
0x70: {  	_ =	shalt  }
0x71: {  	_ =	shalt  }
0x72: {  	_ =	shalt  }
0x73: {  	_ =	shalt  }
0x74: {  	_ =	shalt  }
0x75: {  	_ =	shalt  }
0x76: {  	_ =	shalt  }
0x77: {  	_ =	shalt  }
0x78: {  	_ =	shalt  }
0x79: {  	_ =	shalt  }
0x7a: {  	_ =	shalt  }
0x7b: {  	_ =	shalt  }
0x7c: {  	_ =	shalt  }
0x7d: {  	_ =	shalt  }
0x7e: {  	_ =	shalt  }
0x7f: {  	_ =	shalt  }
0x80: {  	_ =	shalt  }
0x81: {  	_ =	shalt  }
0x82: {  	_ =	shalt  }
0x83: {  	_ =	shalt  }
0x84: {  	_ =	shalt  }
0x85: {  	_ =	shalt  }
0x86: {  	_ =	shalt  }
0x87: {  	_ =	shalt  }
.Lfunc_end0:
.L_simem_size_0:
called_computation_lowered:
.L_overlay_start_0:
0x88: {  	s2 =	sld [smem:$0x3FD9]  }
0x89: {  	s3 =	sld [smem:$0x3FFE];
	_ =	sdelay $0x1  }
0x8a: {  	s1 =	srdreg.scid  }
0x8b: {  	s0 =	sand.u32 $0x1, s1  }
0x8c: {  	s18 =	sshll.u32 s0, $0xA;
	s2 =	sadd.s32 s3, s2  }
0x8d: {  	s2 =	sadd.s32 s2, s18  }
0x8e: {  	[smem:$0x3FC7] =	sst s2  }
0x8f: {  	_ = 	snop  }
0x90: {  	s2 =	sld [smem:$0x3FC9]  }
0x91: {  	s19 =	sld [smem:$0x3FD0];
	(tm) =	ssettm $0x1  }
0x92: {  	s4 =	sld [smem:$0x3FFB];
	_ =	sdelay $0x3  }
0x93: {  	_ =	strace s4  }
0x94: {  	s4 =	sld [smem:$0x3FFC];
	_ =	sdelay $0x3  }
0x95: {  	_ =	strace s4  }
0x96: {  	s4 =	sld [smem:$0x3FFD];
	_ =	sdelay $0x3  }
0x97: {  	_ =	strace s4  }
0x98: {  	_ =	strace $0x8FFFFFFF  }
0x99: {  	s20 =	sld [smem:$0x3FDB];
	_ =	sdelay $0x1  }
0x9a: {  	s5 =	simm.s32 $_scs_section_size  }
0x9b: {  	s6 =	simm.s32 $_size__tile_overlayer_lowered;
	s7 =	simm.s32 $_tile_overlayer_lowered  }
0x9c: {  	s23 =	simm.s32 $0x1BFF;
	s22 =	sshll.u32 s7, $0x1;
	s4 =	sadd.s32 s5, s20  }
0x9d: {  	s8 =	simm.s32 $0x0;
	s21 =	sshll.u32 s6, $0x1;
	s6 =	sadd.s32 s22, s4  }
0x9e: {  	[timem:s8], [sflag:s23] =	dma.local [hbm:s6], s21  }
0x9f: {  	_ =	swait.ge [sflag:s23], s21  }
0xa0: {  	s5 =	ssub.s32 $0x0, s21;
	[sflag:s23] =	ssyncset.done $0x0  }
0xa1: {  	[sflag:s23] =	ssyncadd.s32 s5;
	_ =	sdelay $0x1  }
0xa2: {  	s24 =	simm.s32 $0x1B8B  }
0xa3: {  	_ =	swait.ge [sflag:s24], $0x1  }
0xa4: {  	[sflag:s24] =	ssyncset.done $0x0  }
0xa5: {  	s25 =	simm.s32 $0x1B8E;
	[sflag:s24] =	ssyncadd.s32 $0xFFFFFFFF  }
0xa6: {  	s26 =	simm.s32 $execute0_lowered;
	[smem:$0x3FD2] =	sst s25  }
0xa7: {  	s5 =	sshll.u32 s26, $0x1;
	_ =	strace $0x80000046;
	[dreg:$0x1] =	wrdreg $0xFFFFFFFF  }
0xa8: {  	s28 =	simm.s32 $_size_execute0_lowered;
	s4 =	sadd.s32 s4, s5;
	[dreg:$0x0] =	wrdreg $0x0  }
0xa9: {  	s5 =	sshll.u32 s28, $0x1;
	[dreg:$0x2] =	wrdreg s4  }
0xaa: {  	[dreg:$0x3] =	wrdreg s5  }
0xab: {  	[dreg:$0x4] =	wrdreg $0xC0  }
0xac: {  	_ =	task [dreg:s8], $0x5FFFF  }
0xad: {  	[dreg:$0x1] =	wrdreg $0xFFFFFFFF  }
0xae: {  	[dreg:$0x0] =	wrdreg $0x60  }
0xaf: {  	[dreg:$0x2] =	wrdreg s2  }
0xb0: {  	[dreg:$0x3] =	wrdreg s19  }
0xb1: {  	[dreg:$0x4] =	wrdreg $0x9  }
0xb2: {  	_ =	task.clear_ibuf [dreg:s8], $0x5FFFF;
	_ =	strace $0x90000046  }
0xb3: {  	s29 =	simm.s32 $0x9;
	_ =	strace $0x80000048  }
0xb4: {  	_ =	swait.ge [sflag:s29], $0x1  }
0xb5: {  	[sflag:s29] =	ssyncadd.s32 $0xFFFFFFFF  }
0xb6: {  	_ =	strace $0x90000048  }
0xb7: {  	_ =	sfence  }
0xb8: {  	s30 =	sld [smem:$0x0];
	_ =	sdelay $0x2  }
0xb9: {  	s31 =	sshll.u32 s1, $0xD;
	s1 =	sshrl.u32 s1, $0x2  }
0xba: {  	s3 =	sand.u32 $0x4000, s31;
	s1 =	sadd.s32 s1, s30  }
0xbb: {  	s0 =	sor.u32 s3, s0;
	s1 =	sshll.u32 s1, $0x11  }
0xbc: {  	s0 =	sor.u32 s1, s0  }
0xbd: {  	s0 =	sadd.s32 $0x8F2B, s0  }
0xbe: {  	[sflag:s0] =	ssyncadd.remote.s32 $0x1  }
0xbf: {  	_ =	sfence.sel $0xFFFF  }
0xc0: {  	[dreg:$0x0] =	wrdreg $0xFFFFFFFF;
	(pc) =	sbr.abs _section_cstart, $3  }
0xc1: {  	[dreg:$0x1] =	wrdreg $0xFFFFFFFF  }
0xc2: {  	_ =	task.clear_ibuf [dreg:s8], $0x2FFFF;
	_ =	strace $0x9FFFFFFF  }
0xc3: {  	(tm) =	ssettm $0x7FFFFFFF  }
tec
execute0_lowered:
.L_overlay_start_1:
0x0: {  	(tag) =	ssettag $0x1  }
0x1: {  	s1 =	srdreg.scid;
	s2 =	rddreg [dreg:$0x0]  }
0x2: {  	s0 =	stileid.u32;
	s9 =	rddreg [dreg:$0x1]  }
0x3: {  	s16 =	simm.s32 $0x12000;
	s18 =	simm.s32 $0x2;
	s19 =	simm.s32 $0x3  }
0x4: {  	s20 =	simm.s32 $0x4;
	s21 =	simm.s32 $0x5;
	s22 =	simm.s32 $0x6  }
0x5: {  	s4 =	sand.u32 $0x1, s1;
	s25 =	sshll.u32 s0, $0x1;
	s8 =	smul.u32 $0x6200, s0  }
0x6: {  	s23 =	simm.s32 $0x7;
	s17 =	sor.u32 s4, s25;
	s11 =	smul.u32 $0x3100, s4  }
0x7: {  	s24 =	simm.s32 $0x8;
	s7 =	ssub.s32 $0x2, s4;
	s1 =	smul.u32 $0x3100, s17  }
0x8: {  	s25 =	simm.s32 $0x0;
	s10 =	sshrl.u32 s7, $0x1;
	p0 =	sne.s32 s17, $0x0  }
0x9: {  	s17 =	simm.s32 $0x1;
	s10 =	ssub.s32 s7, s10;
	s3 =	sshrl.u32 s1, $0x3  }
0xa: {  	s13 =	sadd.s32 s11, s8;
	s1 =	rddreg [dreg:$0x2];
	s5 =	smul.u32 $0x180, s3  }
0xb: {  	s28 =	sshrl.u32 s13, $0x3;
	s8 =	sadd.s32 $0x1C0, s13;
	s6 =	smul.u32 $0xC00, s3  }
0xc: {  	s31 =	sadd.s32 $0x180, s13;
	s29 =	smul.u32 $0x180, s28;
	s30 =	sshrl.u32 s8, $0x3  }
0xd: {  	s14 =	sadd.s32 $0x140, s13;
	s8 =	sshrl.u32 s31, $0x3;
	s12 =	smul.u32 $0x180, s30  }
0xe: {  	s3 =	simm.s32 $0x0;
	s14 =	sshrl.u32 s14, $0x3;
	s15 =	smul.u32 $0x180, s8  }
0xf: {  	s13 =	sadd.s32 $0x100, s13;
	[smem:$0x7FF] =	sst s3;
	s14 =	smul.u32 $0x180, s14  }
.Ltmp0:
0x10: {  	s8 =	smax.u32 s10, $0x1;
	_ =	strace $0x80000047;
	(pc) =	sbr.rel .LBB2_1-.Ltmp0, $4  }
0x11: {  	s4 =	sadd.s32 s2, s5;
	s6 =	sshrl.u32 s6, $0x3;
	s9 =	sadd.s32 s29, s9  }
0x12: {  	s5 =	sadd.s32 $0xC00, s4;
	s26 =	sadd.s32 s2, s6;
	s10 =	sadd.s32 s12, s2  }
0x13: {  	s11 =	sadd.s32 s15, s2;
	s12 =	sadd.s32 s14, s2;
	s14 =	simm.s32 $0x6000  }
0x14: {  	s15 =	simm.s32 $0xC000;
	s6 =	sadd.s32 $0x1800, s26;
	s7 =	sadd.s32 $0x2400, s26  }
.LBB2_4:
0x15: {  	_ =	swait.ge [sflag:s22], $0x6000  }
0x16: {  	[sflag:s22] =	ssyncset.done $0x0  }
0x17: {  	s25 =	sadd.s32 $0x1, s25;
	[sflag:s22] =	ssyncadd.s32 $0xFFFFA000  }
0x18: {  	p1 =	sne.s32 s25, s8;
	_ =	swait.ge [sflag:s23], $0x6000  }
.Ltmp1:
0x19: {  	[sflag:s23] =	ssyncset.done $0x0;
	(pc) =	sbr.rel @!p1 .LBB2_5-.Ltmp1, $4  }
0x1a: {  	[sflag:s23] =	ssyncadd.s32 $0xFFFFA000  }
0x1b: {  	_ =	swait.ge [sflag:s24], $0x6000  }
0x1c: {  	[sflag:s24] =	ssyncset.done $0x0  }
0x1d: {  	[sflag:s24] =	ssyncadd.s32 $0xFFFFA000  }
.LBB2_1:
0x1e: {  	[tilespmem:s3], [sflag:$0x1] =	stream.linear.gather [hbm4b:s4+s3], $0x6000, $0x38;
	[tilespmem:$0x18000] =	vst v63  }
0x1f: {  	_ = 	snop  }
0x20: {  	[tilespmem:s14], [sflag:$0x2] =	stream.linear.gather [hbm4b:s5+s3], $0x6000, $0x38;
	[tilespmem:$0x18000] =	vst v63  }
0x21: {  	_ = 	snop  }
0x22: {  	[tilespmem:s15], [sflag:$0x3] =	stream.linear.gather [hbm4b:s6+s3], $0x6000, $0x38;
	[tilespmem:$0x18000] =	vst v63  }
0x23: {  	s26 =	smov.u32 s13;
	s28 =	simm.s32 $0x0  }
0x24: {  	[tilespmem:s16], [sflag:$0x4] =	stream.linear.gather [hbm4b:s7+s3], $0x6000, $0x38;
	[tilespmem:$0x18000] =	vst v63  }
.LBB2_2:
0x25: {  	_ =	swait.ge [sflag:s17], $0x6000  }
0x26: {  	[sflag:s17] =	ssyncset.done $0x0  }
0x27: {  	s29 =	sadd.s32 s28, s9;
	[sflag:s17] =	ssyncadd.s32 $0xFFFFA000  }
0x28: {  	[hbm4b:s29+s3] =	stream.linear.scatter [tilespmem:s3], [sflag:$0x5], $0x6000, $0x38;
	[tilespmem:$0x18000] =	vst v63  }
0x29: {  	_ =	swait.ge [sflag:s18], $0x6000  }
0x2a: {  	p1 =	sne.s32 @!p0 s28, $0xF000;
	[sflag:s18] =	ssyncset.done $0x0  }
0x2b: {  	p1 =	por p1, p0;
	[sflag:s18] =	ssyncadd.s32 $0xFFFFA000  }
0x2c: {  	v0 =	vld @!p1 [tilespmem:$0x6300];
	_ =	sdelay $0x2  }
0x2d: {  	v1 =	vlaneseq.u32 @!p1  }
0x2e: {  	vm0 =	veq.s32 @!p1 v1, $0x1  }
0x2f: {  	v0 =	vsel @!p1 vm0, $0x3F800000, v0  }
0x30: {  	s30 =	sadd.s32 $0xC00, s29;
	[tilespmem:$0x6300] =	vst @!p1 v0  }
0x31: {  	[hbm4b:s30+s3] =	stream.linear.scatter [tilespmem:s14], [sflag:$0x6], $0x6000, $0x38;
	[tilespmem:$0x18000] =	vst v63  }
0x32: {  	_ =	swait.ge [sflag:s19], $0x6000  }
0x33: {  	[sflag:s19] =	ssyncset.done $0x0  }
0x34: {  	s31 =	sadd.s32 $0x1800, s29;
	[sflag:s19] =	ssyncadd.s32 $0xFFFFA000  }
0x35: {  	[hbm4b:s31+s3] =	stream.linear.scatter [tilespmem:s15], [sflag:$0x7], $0x6000, $0x38;
	[tilespmem:$0x18000] =	vst v63  }
0x36: {  	_ =	swait.ge [sflag:s20], $0x6000  }
0x37: {  	p1 =	seq.s32 s28, $0x90000;
	[sflag:s20] =	ssyncset.done $0x0  }
.Ltmp2:
0x38: {  	s29 =	sadd.s32 $0x2400, s29;
	[sflag:s20] =	ssyncadd.s32 $0xFFFFA000;
	(pc) =	sbr.rel @p1 .LBB2_4-.Ltmp2, $4  }
0x39: {  	[hbm4b:s29+s3] =	stream.linear.scatter [tilespmem:s16], [sflag:$0x8], $0x6000, $0x38;
	[tilespmem:$0x18000] =	vst v63  }
0x3a: {  	_ =	swait.ge [sflag:s21], $0x6000  }
0x3b: {  	[sflag:s21] =	ssyncset.done $0x0  }
0x3c: {  	[sflag:s21] =	ssyncadd.s32 $0xFFFFA000  }
0x3d: {  	s29 =	sshrl.u32 s26, $0x3  }
0x3e: {  	s29 =	smul.u32 $0x180, s29;
	_ =	sdelay $0x1  }
0x3f: {  	s29 =	sadd.s32 s2, s29  }
0x40: {  	[tilespmem:s3], [sflag:$0x1] =	stream.linear.gather [hbm4b:s29+s3], $0x6000, $0x38;
	[tilespmem:$0x18000] =	vst v63  }
0x41: {  	_ =	swait.ge [sflag:s22], $0x6000  }
0x42: {  	[sflag:s22] =	ssyncset.done $0x0  }
0x43: {  	s31 =	sadd.s32 s28, s12;
	[sflag:s22] =	ssyncadd.s32 $0xFFFFA000  }
0x44: {  	[tilespmem:s14], [sflag:$0x2] =	stream.linear.gather [hbm4b:s31+s3], $0x6000, $0x38;
	[tilespmem:$0x18000] =	vst v63  }
0x45: {  	_ =	swait.ge [sflag:s23], $0x6000  }
0x46: {  	[sflag:s23] =	ssyncset.done $0x0  }
0x47: {  	s30 =	sadd.s32 s28, s11;
	[sflag:s23] =	ssyncadd.s32 $0xFFFFA000  }
0x48: {  	[tilespmem:s15], [sflag:$0x3] =	stream.linear.gather [hbm4b:s30+s3], $0x6000, $0x38;
	[tilespmem:$0x18000] =	vst v63  }
.Ltmp3:
0x49: {  	_ = 	snop;
	(pc) =	sbr.rel .LBB2_2-.Ltmp3, $4  }
0x4a: {  	_ =	swait.ge [sflag:s24], $0x6000  }
0x4b: {  	s26 =	sadd.s32 $0x100, s26;
	[sflag:s24] =	ssyncset.done $0x0  }
0x4c: {  	s31 =	sadd.s32 s28, s10;
	s28 =	sadd.s32 $0x3000, s28;
	[sflag:s24] =	ssyncadd.s32 $0xFFFFA000  }
0x4d: {  	[tilespmem:s16], [sflag:$0x4] =	stream.linear.gather [hbm4b:s31+s3], $0x6000, $0x38;
	[tilespmem:$0x18000] =	vst v63  }
.LBB2_5:
0x4e: {  	_ =	sfence.sel $0x180000  }
0x4f: {  	[bflag:$0x0] =	sbarrier.arrive $0xFFFF  }
0x50: {  	p0 =	sne.s32 s0, $0x0;
	_ =	strace $0x90000047  }
0x51: {  	s0 =	sadd.s32 @!p0 $0x100000, s1;
	[bflag:$0x2] =	sbarrier.arrive $0xFFFF  }
0x52: {  	[sflag:s0] =	ssyncadd.tile.s32 @!p0 $0x1;
	_ =	shalt  }
.Lfunc_end2:
_tile_overlayer_lowered:
.L_overlay_start_2:
0x53: {  	(tag) =	ssettag $0x2  }
0x54: {  	s0 =	rddreg [dreg:$0x0];
	s2 =	stileid.u32  }
0x55: {  	s1 =	rddreg [dreg:$0x1];
	p0 =	sne.s32 s2, $0x0  }
0x56: {  	s3 =	rddreg [dreg:$0x2];
	[bflag:$0x3] =	sbarrier.arrive $0xFFFF;
	s2 =	simm.s32 @!p0 $0x1C09  }
0x57: {  	[timem:s3], [sflag:s2] =	dma.local @!p0 [hbm:s0], s1  }
0x58: {  	s0 =	simm.s32 @!p0 $0x9  }
0x59: {  	_ =	swait.ge @!p0 [sflag:s0], s1  }
0x5a: {  	s1 =	ssub.s32 @!p0 $0x0, s1;
	[sflag:s0] =	ssyncset.done @!p0 $0x0  }
0x5b: {  	[sflag:s0] =	ssyncadd.s32 @!p0 s1  }
0x5c: {  	[bflag:$0x3] =	sbarrier.arrive $0xFFFF  }
0x5d: {  	_ =	shalt  }

</sc_bundles>
